<compile_context>
chip_gen: v7x
topology: tpu7x:2x2x1
jax: 0.10.2.dev20260603
libtpu: 0.0.44.dev20260713+nightly
codegen_flags: <defaults>
</compile_context>

<pallas_src>
import jax
import jax.numpy as jnp
import numpy as np
from jax import lax
from jax.experimental import pallas as pl
from jax.experimental.pallas import tpu as pltpu
from jax.experimental.pallas import tpu_sc as plsc

_C = 32
_NTRIL = _C * (_C + 1) // 2
_T = 256
_NB = 32 * 8
_D = 128

_ROWS_IN = _NB * _C * 4 * 2 * 8
_ROWS_OUT = _NB * 66 * 2 * 8

_NC = 2
_NS = 16
_NW = _NC * _NS
_RPW = _ROWS_OUT // _NW
_CH = 128
_NCH = _RPW // _CH
_NBUF = 6


def _build_idx() -> np.ndarray:
    row, col = np.tril_indices(_C)
    base = (row * 4 + col // 8) * 16 + col % 8
    bk = base.reshape(66, 8)
    nb = np.arange(_NB, dtype=np.int32)
    tt = np.arange(2, dtype=np.int32)
    j = (nb[:, None, None, None] * 2048
         + bk[None, :, None, :]
         + tt[None, None, :, None] * 8)
    return j.reshape(_ROWS_OUT).astype(np.int32)


_IDX_HOST = _build_idx()


def _body(tab_hbm, idx_hbm, out_hbm, idx_v, bufs, gsems, ssems):
    wid = lax.axis_index("s") * _NC + lax.axis_index("c")
    r0 = wid * _RPW
    pltpu.sync_copy(idx_hbm.at[pl.ds(r0, _RPW)], idx_v)

    def gather(g, b):
        return pltpu.make_async_copy(
            tab_hbm.at[idx_v.at[pl.ds(g * _CH, _CH)]], bufs[b], gsems[b])

    def scatter(g, b):
        return pltpu.make_async_copy(
            bufs[b], out_hbm.at[pl.ds(r0 + g * _CH, _CH)], ssems[b])

    gather(0, 0).start()
    gather(1, 1).start()

    def outer(it, carry):
        for b in range(_NBUF):
            g = it * _NBUF + b
            gather(g, b).wait()
            scatter(g, b).start()
            n = g + 2
            bn = (b + 2) % _NBUF

            @pl.when(n < _NCH)
            def _():
                @pl.when(n >= _NBUF)
                def _():
                    scatter(n - _NBUF, bn).wait()

                gather(n, bn).start()

        return carry

    lax.fori_loop(0, _NCH // _NBUF, outer, 0)
    for b in range(_NBUF):
        scatter(_NCH - _NBUF + b, b).wait()


@jax.jit
def _spd_vectorize(tab, idx):
    mesh = plsc.VectorSubcoreMesh(core_axis_name="c", subcore_axis_name="s")
    return pl.kernel(
        _body,
        mesh=mesh,
        out_type=jax.ShapeDtypeStruct((_ROWS_OUT, _D), jnp.float32),
        scratch_types={
            "idx_v": pltpu.VMEM((_RPW,), jnp.int32),
            "bufs": [pltpu.VMEM((_CH, _D), jnp.float32)] * _NBUF,
            "gsems": [pltpu.SemaphoreType.DMA] * _NBUF,
            "ssems": [pltpu.SemaphoreType.DMA] * _NBUF,
        },
    )(tab, idx)


def kernel(inputs):
    x = jnp.transpose(inputs, (1, 2, 3, 4, 0))
    x = x.reshape(32, 8, _C, 4, 8, 2, _D)
    x = jnp.transpose(x, (0, 1, 2, 3, 5, 4, 6))
    tab = x.reshape(_ROWS_IN, _D)

    y = _spd_vectorize(tab, jnp.asarray(_IDX_HOST))

    y = y.reshape(32, 8, 66, 2, 8, _D)
    y = jnp.transpose(y, (3, 5, 0, 1, 2, 4))
    return y.reshape(_T, 32, 8, _NTRIL)

# --- scband reference (transcript-rebuilt; emitter-appended) ---
"""Pipeline reference for scband-spdvectorize-31507880084175 (READ-ONLY COPY).

The authoritative reference and input builder live on the scoring server;
editing this copy changes nothing except your own understanding.
"""

import jax, jax.numpy as jnp
import numpy as np

C = 32
_T, _N, _BANDS = 256, 32, 8

def setup_inputs(seed: int = 0) -> dict:
    key = jax.random.key(seed)
    inputs = jax.random.normal(key, (_T, _N, _BANDS, C, C), dtype=jnp.float32)
    return {"inputs": inputs}

def reference(inputs):
    # torch.tril_indices(C, C) enumerates lower-triangular indices in row-major
    # order, identical to np.tril_indices.
    row, col = np.tril_indices(C)
    row = jnp.asarray(row)
    col = jnp.asarray(col)
    vec = inputs[:, :, :, row, col]
    return vec

if __name__ == "__main__":
    import jax
    _d = setup_inputs()
    print(jax.jit(kernel)(*tuple(_d.values())))

</pallas_src>

<mosaic_0001>
#map = affine_map<(d0, d1) -> (0, 0)>
#map1 = affine_map<(d0, d1) -> (0)>
module attributes {stable_mosaic.version = 14 : i64} {
  func.func @_body(%arg0: i32, %arg1: i32, %arg2: memref<524288x128xf32, #tpu.memory_space<hbm>>, %arg3: memref<270336xi32, #tpu.memory_space<hbm>>, %arg4: memref<270336x128xf32, #tpu.memory_space<hbm>>, %arg5: memref<128x128xf32, #tpu.memory_space<vmem>>, %arg6: memref<128x128xf32, #tpu.memory_space<vmem>>, %arg7: memref<128x128xf32, #tpu.memory_space<vmem>>, %arg8: memref<128x128xf32, #tpu.memory_space<vmem>>, %arg9: memref<128x128xf32, #tpu.memory_space<vmem>>, %arg10: memref<128x128xf32, #tpu.memory_space<vmem>>, %arg11: memref<!tpu.dma_semaphore, #tpu.memory_space<semaphore_mem>>, %arg12: memref<!tpu.dma_semaphore, #tpu.memory_space<semaphore_mem>>, %arg13: memref<!tpu.dma_semaphore, #tpu.memory_space<semaphore_mem>>, %arg14: memref<!tpu.dma_semaphore, #tpu.memory_space<semaphore_mem>>, %arg15: memref<!tpu.dma_semaphore, #tpu.memory_space<semaphore_mem>>, %arg16: memref<!tpu.dma_semaphore, #tpu.memory_space<semaphore_mem>>, %arg17: memref<8448xi32, #tpu.memory_space<vmem>>, %arg18: memref<!tpu.dma_semaphore, #tpu.memory_space<semaphore_mem>>, %arg19: memref<!tpu.dma_semaphore, #tpu.memory_space<semaphore_mem>>, %arg20: memref<!tpu.dma_semaphore, #tpu.memory_space<semaphore_mem>>, %arg21: memref<!tpu.dma_semaphore, #tpu.memory_space<semaphore_mem>>, %arg22: memref<!tpu.dma_semaphore, #tpu.memory_space<semaphore_mem>>, %arg23: memref<!tpu.dma_semaphore, #tpu.memory_space<semaphore_mem>>) attributes {dimension_semantics = [#tpu.dimension_semantics<core_parallel>, #tpu.dimension_semantics<subcore_parallel>], iteration_bounds = array<i64: 2, 16>, scalar_prefetch = 0 : i64, scratch_operands = 19 : i64, tpu.core_type = #tpu.core_type<sc_vector_subcore>, window_params = [{transform_indices = #map}, {transform_indices = #map1}, {transform_indices = #map}]} {
    %mul3A = arith.constant 2 : i32
    %mul3A_0 = arith.muli %arg1, %mul3A : i32
    %add3A = arith.addi %mul3A_0, %arg0 : i32
    %mul3A_1 = arith.constant 8448 : i32
    %mul3A_2 = arith.muli %add3A, %mul3A_1 : i32
    "tpu.region"() ({
      %run_scoped3A = tpu.sem_alloc : memref<!tpu.dma_semaphore, #tpu.memory_space<semaphore_mem>>
      %dma_start3A_52 = tpu.memref_slice %arg3[%mul3A_2] : memref<270336xi32, #tpu.memory_space<hbm>> -> memref<8448xi32, #tpu.memory_space<hbm>>
      %dma_start3A_53 = tpu.memref_slice %arg3[%mul3A_2] : memref<270336xi32, #tpu.memory_space<hbm>> -> memref<8448xi32, #tpu.memory_space<hbm>>
      tpu.enqueue_dma source(%dma_start3A_53 : memref<8448xi32, #tpu.memory_space<hbm>>) target(%arg17 : memref<8448xi32, #tpu.memory_space<vmem>>) target_semaphore(%run_scoped3A : memref<!tpu.dma_semaphore, #tpu.memory_space<semaphore_mem>>)
      %dma_wait3A_54 = tpu.memref_slice %arg3[%mul3A_2] : memref<270336xi32, #tpu.memory_space<hbm>> -> memref<8448xi32, #tpu.memory_space<hbm>>
      %dma_wait3A_55 = tpu.memref_slice %arg3[%mul3A_2] : memref<270336xi32, #tpu.memory_space<hbm>> -> memref<8448xi32, #tpu.memory_space<hbm>>
      tpu.wait_dma2 semaphore(%run_scoped3A : memref<!tpu.dma_semaphore, #tpu.memory_space<semaphore_mem>>) src(%dma_wait3A_55 : memref<8448xi32, #tpu.memory_space<hbm>>) dst(%arg17 : memref<8448xi32, #tpu.memory_space<vmem>>)
      tpu.yield
    }) : () -> ()
    %dma_start3A = arith.constant 0 : i32
    %dma_start3A_3 = tpu.memref_slice %arg17[%dma_start3A] : memref<8448xi32, #tpu.memory_space<vmem>> -> memref<128xi32, #tpu.memory_space<vmem>>
    %dma_start3A_4 = arith.constant 0 : i32
    %dma_start3A_5 = arith.constant 0 : i32
    %dma_start3A_6 = tpu.memref_slice %arg2[%dma_start3A_4, %dma_start3A_5] : memref<524288x128xf32, #tpu.memory_space<hbm>> -> memref<524288x128xf32, #tpu.memory_space<hbm>>
    tpu.enqueue_indirect_dma source(%dma_start3A_6 : memref<524288x128xf32, #tpu.memory_space<hbm>>) target(%arg5 : memref<128x128xf32, #tpu.memory_space<vmem>>) offsets(%dma_start3A_3 : memref<128xi32, #tpu.memory_space<vmem>>) semaphore(%arg11 : memref<!tpu.dma_semaphore, #tpu.memory_space<semaphore_mem>>)
    %dma_start3A_7 = arith.constant 128 : i32
    %dma_start3A_8 = tpu.memref_slice %arg17[%dma_start3A_7] : memref<8448xi32, #tpu.memory_space<vmem>> -> memref<128xi32, #tpu.memory_space<vmem>>
    %dma_start3A_9 = arith.constant 0 : i32
    %dma_start3A_10 = arith.constant 0 : i32
    %dma_start3A_11 = tpu.memref_slice %arg2[%dma_start3A_9, %dma_start3A_10] : memref<524288x128xf32, #tpu.memory_space<hbm>> -> memref<524288x128xf32, #tpu.memory_space<hbm>>
    tpu.enqueue_indirect_dma source(%dma_start3A_11 : memref<524288x128xf32, #tpu.memory_space<hbm>>) target(%arg6 : memref<128x128xf32, #tpu.memory_space<vmem>>) offsets(%dma_start3A_8 : memref<128xi32, #tpu.memory_space<vmem>>) semaphore(%arg12 : memref<!tpu.dma_semaphore, #tpu.memory_space<semaphore_mem>>)
    %scan3A = arith.constant 0 : i32
    %scan3A_12 = arith.constant 0 : i32
    %scan3A_13 = arith.constant 11 : i32
    %scan3A_14 = arith.addi %scan3A_12, %scan3A_13 : i32
    %scan3A_15 = arith.constant 1 : i32
    scf.for %scan3A_52 = %scan3A_12 to %scan3A_14 step %scan3A_15  : i32 {
      %mul3A_53 = arith.constant 6 : i32
      %mul3A_54 = arith.muli %scan3A_52, %mul3A_53 : i32
      %add3A_55 = arith.constant 0 : i32
      %add3A_56 = arith.addi %mul3A_54, %add3A_55 : i32
      %mul3A_57 = arith.constant 128 : i32
      %mul3A_58 = arith.muli %add3A_56, %mul3A_57 : i32
      %dma_wait3A_59 = tpu.memref_slice %arg17[%mul3A_58] : memref<8448xi32, #tpu.memory_space<vmem>> -> memref<128xi32, #tpu.memory_space<vmem>>
      %dma_wait3A_60 = arith.constant 0 : i32
      %dma_wait3A_61 = arith.constant 0 : i32
      %dma_wait3A_62 = tpu.memref_slice %arg2[%dma_wait3A_60, %dma_wait3A_61] : memref<524288x128xf32, #tpu.memory_space<hbm>> -> memref<524288x128xf32, #tpu.memory_space<hbm>>
      tpu.wait_indirect_dma semaphore(%arg11 : memref<!tpu.dma_semaphore, #tpu.memory_space<semaphore_mem>>) src(%dma_wait3A_62 : memref<524288x128xf32, #tpu.memory_space<hbm>>) dst(%arg5 : memref<128x128xf32, #tpu.memory_space<vmem>>)
      %mul3A_63 = arith.constant 128 : i32
      %mul3A_64 = arith.muli %add3A_56, %mul3A_63 : i32
      %add3A_65 = arith.addi %mul3A_2, %mul3A_64 : i32
      %dma_start3A_66 = arith.constant 0 : i32
      %dma_start3A_67 = tpu.memref_slice %arg4[%add3A_65, %dma_start3A_66] : memref<270336x128xf32, #tpu.memory_space<hbm>> -> memref<128x128xf32, #tpu.memory_space<hbm>>
      %dma_start3A_68 = arith.constant 0 : i32
      %dma_start3A_69 = tpu.memref_slice %arg4[%add3A_65, %dma_start3A_68] : memref<270336x128xf32, #tpu.memory_space<hbm>> -> memref<128x128xf32, #tpu.memory_space<hbm>>
      tpu.enqueue_dma source(%arg5 : memref<128x128xf32, #tpu.memory_space<vmem>>) target(%dma_start3A_69 : memref<128x128xf32, #tpu.memory_space<hbm>>) target_semaphore(%arg18 : memref<!tpu.dma_semaphore, #tpu.memory_space<semaphore_mem>>)
      %add3A_70 = arith.constant 2 : i32
      %add3A_71 = arith.addi %add3A_56, %add3A_70 : i32
      %lt3A = arith.constant 66 : i32
      %lt3A_72 = arith.cmpi slt, %add3A_71, %lt3A : i32
      %convert_element_type3A = arith.extui %lt3A_72 : i1 to i32
      %cond3A = arith.constant 0 : i32
      %cond3A_73 = arith.cmpi ne, %convert_element_type3A, %cond3A : i32
      scf.if %cond3A_73 {
        %ge3A = arith.constant 6 : i32
        %ge3A_194 = arith.cmpi sge, %add3A_71, %ge3A : i32
        %convert_element_type3A_195 = arith.extui %ge3A_194 : i1 to i32
        %cond3A_196 = arith.constant 0 : i32
        %cond3A_197 = arith.cmpi ne, %convert_element_type3A_195, %cond3A_196 : i32
        scf.if %cond3A_197 {
          %sub3A = arith.constant 6 : i32
          %sub3A_204 = arith.subi %add3A_71, %sub3A : i32
          %mul3A_205 = arith.constant 128 : i32
          %mul3A_206 = arith.muli %sub3A_204, %mul3A_205 : i32
          %add3A_207 = arith.addi %mul3A_2, %mul3A_206 : i32
          %dma_wait3A_208 = arith.constant 0 : i32
          %dma_wait3A_209 = tpu.memref_slice %arg4[%add3A_207, %dma_wait3A_208] : memref<270336x128xf32, #tpu.memory_space<hbm>> -> memref<128x128xf32, #tpu.memory_space<hbm>>
          %dma_wait3A_210 = arith.constant 0 : i32
          %dma_wait3A_211 = tpu.memref_slice %arg4[%add3A_207, %dma_wait3A_210] : memref<270336x128xf32, #tpu.memory_space<hbm>> -> memref<128x128xf32, #tpu.memory_space<hbm>>
          tpu.wait_dma2 semaphore(%arg20 : memref<!tpu.dma_semaphore, #tpu.memory_space<semaphore_mem>>) src(%arg7 : memref<128x128xf32, #tpu.memory_space<vmem>>) dst(%dma_wait3A_211 : memref<128x128xf32, #tpu.memory_space<hbm>>)
        } else {
        }
        %mul3A_198 = arith.constant 128 : i32
        %mul3A_199 = arith.muli %add3A_71, %mul3A_198 : i32
        %dma_start3A_200 = tpu.memref_slice %arg17[%mul3A_199] : memref<8448xi32, #tpu.memory_space<vmem>> -> memref<128xi32, #tpu.memory_space<vmem>>
        %dma_start3A_201 = arith.constant 0 : i32
        %dma_start3A_202 = arith.constant 0 : i32
        %dma_start3A_203 = tpu.memref_slice %arg2[%dma_start3A_201, %dma_start3A_202] : memref<524288x128xf32, #tpu.memory_space<hbm>> -> memref<524288x128xf32, #tpu.memory_space<hbm>>
        tpu.enqueue_indirect_dma source(%dma_start3A_203 : memref<524288x128xf32, #tpu.memory_space<hbm>>) target(%arg7 : memref<128x128xf32, #tpu.memory_space<vmem>>) offsets(%dma_start3A_200 : memref<128xi32, #tpu.memory_space<vmem>>) semaphore(%arg13 : memref<!tpu.dma_semaphore, #tpu.memory_space<semaphore_mem>>)
      } else {
      }
      %mul3A_74 = arith.constant 6 : i32
      %mul3A_75 = arith.muli %scan3A_52, %mul3A_74 : i32
      %add3A_76 = arith.constant 1 : i32
      %add3A_77 = arith.addi %mul3A_75, %add3A_76 : i32
      %mul3A_78 = arith.constant 128 : i32
      %mul3A_79 = arith.muli %add3A_77, %mul3A_78 : i32
      %dma_wait3A_80 = tpu.memref_slice %arg17[%mul3A_79] : memref<8448xi32, #tpu.memory_space<vmem>> -> memref<128xi32, #tpu.memory_space<vmem>>
      %dma_wait3A_81 = arith.constant 0 : i32
      %dma_wait3A_82 = arith.constant 0 : i32
      %dma_wait3A_83 = tpu.memref_slice %arg2[%dma_wait3A_81, %dma_wait3A_82] : memref<524288x128xf32, #tpu.memory_space<hbm>> -> memref<524288x128xf32, #tpu.memory_space<hbm>>
      tpu.wait_indirect_dma semaphore(%arg12 : memref<!tpu.dma_semaphore, #tpu.memory_space<semaphore_mem>>) src(%dma_wait3A_83 : memref<524288x128xf32, #tpu.memory_space<hbm>>) dst(%arg6 : memref<128x128xf32, #tpu.memory_space<vmem>>)
      %mul3A_84 = arith.constant 128 : i32
      %mul3A_85 = arith.muli %add3A_77, %mul3A_84 : i32
      %add3A_86 = arith.addi %mul3A_2, %mul3A_85 : i32
      %dma_start3A_87 = arith.constant 0 : i32
      %dma_start3A_88 = tpu.memref_slice %arg4[%add3A_86, %dma_start3A_87] : memref<270336x128xf32, #tpu.memory_space<hbm>> -> memref<128x128xf32, #tpu.memory_space<hbm>>
      %dma_start3A_89 = arith.constant 0 : i32
      %dma_start3A_90 = tpu.memref_slice %arg4[%add3A_86, %dma_start3A_89] : memref<270336x128xf32, #tpu.memory_space<hbm>> -> memref<128x128xf32, #tpu.memory_space<hbm>>
      tpu.enqueue_dma source(%arg6 : memref<128x128xf32, #tpu.memory_space<vmem>>) target(%dma_start3A_90 : memref<128x128xf32, #tpu.memory_space<hbm>>) target_semaphore(%arg19 : memref<!tpu.dma_semaphore, #tpu.memory_space<semaphore_mem>>)
      %add3A_91 = arith.constant 2 : i32
      %add3A_92 = arith.addi %add3A_77, %add3A_91 : i32
      %lt3A_93 = arith.constant 66 : i32
      %lt3A_94 = arith.cmpi slt, %add3A_92, %lt3A_93 : i32
      %convert_element_type3A_95 = arith.extui %lt3A_94 : i1 to i32
      %cond3A_96 = arith.constant 0 : i32
      %cond3A_97 = arith.cmpi ne, %convert_element_type3A_95, %cond3A_96 : i32
      scf.if %cond3A_97 {
        %ge3A = arith.constant 6 : i32
        %ge3A_194 = arith.cmpi sge, %add3A_92, %ge3A : i32
        %convert_element_type3A_195 = arith.extui %ge3A_194 : i1 to i32
        %cond3A_196 = arith.constant 0 : i32
        %cond3A_197 = arith.cmpi ne, %convert_element_type3A_195, %cond3A_196 : i32
        scf.if %cond3A_197 {
          %sub3A = arith.constant 6 : i32
          %sub3A_204 = arith.subi %add3A_92, %sub3A : i32
          %mul3A_205 = arith.constant 128 : i32
          %mul3A_206 = arith.muli %sub3A_204, %mul3A_205 : i32
          %add3A_207 = arith.addi %mul3A_2, %mul3A_206 : i32
          %dma_wait3A_208 = arith.constant 0 : i32
          %dma_wait3A_209 = tpu.memref_slice %arg4[%add3A_207, %dma_wait3A_208] : memref<270336x128xf32, #tpu.memory_space<hbm>> -> memref<128x128xf32, #tpu.memory_space<hbm>>
          %dma_wait3A_210 = arith.constant 0 : i32
          %dma_wait3A_211 = tpu.memref_slice %arg4[%add3A_207, %dma_wait3A_210] : memref<270336x128xf32, #tpu.memory_space<hbm>> -> memref<128x128xf32, #tpu.memory_space<hbm>>
          tpu.wait_dma2 semaphore(%arg21 : memref<!tpu.dma_semaphore, #tpu.memory_space<semaphore_mem>>) src(%arg8 : memref<128x128xf32, #tpu.memory_space<vmem>>) dst(%dma_wait3A_211 : memref<128x128xf32, #tpu.memory_space<hbm>>)
        } else {
        }
        %mul3A_198 = arith.constant 128 : i32
        %mul3A_199 = arith.muli %add3A_92, %mul3A_198 : i32
        %dma_start3A_200 = tpu.memref_slice %arg17[%mul3A_199] : memref<8448xi32, #tpu.memory_space<vmem>> -> memref<128xi32, #tpu.memory_space<vmem>>
        %dma_start3A_201 = arith.constant 0 : i32
        %dma_start3A_202 = arith.constant 0 : i32
        %dma_start3A_203 = tpu.memref_slice %arg2[%dma_start3A_201, %dma_start3A_202] : memref<524288x128xf32, #tpu.memory_space<hbm>> -> memref<524288x128xf32, #tpu.memory_space<hbm>>
        tpu.enqueue_indirect_dma source(%dma_start3A_203 : memref<524288x128xf32, #tpu.memory_space<hbm>>) target(%arg8 : memref<128x128xf32, #tpu.memory_space<vmem>>) offsets(%dma_start3A_200 : memref<128xi32, #tpu.memory_space<vmem>>) semaphore(%arg14 : memref<!tpu.dma_semaphore, #tpu.memory_space<semaphore_mem>>)
      } else {
      }
      %mul3A_98 = arith.constant 6 : i32
      %mul3A_99 = arith.muli %scan3A_52, %mul3A_98 : i32
      %add3A_100 = arith.constant 2 : i32
      %add3A_101 = arith.addi %mul3A_99, %add3A_100 : i32
      %mul3A_102 = arith.constant 128 : i32
      %mul3A_103 = arith.muli %add3A_101, %mul3A_102 : i32
      %dma_wait3A_104 = tpu.memref_slice %arg17[%mul3A_103] : memref<8448xi32, #tpu.memory_space<vmem>> -> memref<128xi32, #tpu.memory_space<vmem>>
      %dma_wait3A_105 = arith.constant 0 : i32
      %dma_wait3A_106 = arith.constant 0 : i32
      %dma_wait3A_107 = tpu.memref_slice %arg2[%dma_wait3A_105, %dma_wait3A_106] : memref<524288x128xf32, #tpu.memory_space<hbm>> -> memref<524288x128xf32, #tpu.memory_space<hbm>>
      tpu.wait_indirect_dma semaphore(%arg13 : memref<!tpu.dma_semaphore, #tpu.memory_space<semaphore_mem>>) src(%dma_wait3A_107 : memref<524288x128xf32, #tpu.memory_space<hbm>>) dst(%arg7 : memref<128x128xf32, #tpu.memory_space<vmem>>)
      %mul3A_108 = arith.constant 128 : i32
      %mul3A_109 = arith.muli %add3A_101, %mul3A_108 : i32
      %add3A_110 = arith.addi %mul3A_2, %mul3A_109 : i32
      %dma_start3A_111 = arith.constant 0 : i32
      %dma_start3A_112 = tpu.memref_slice %arg4[%add3A_110, %dma_start3A_111] : memref<270336x128xf32, #tpu.memory_space<hbm>> -> memref<128x128xf32, #tpu.memory_space<hbm>>
      %dma_start3A_113 = arith.constant 0 : i32
      %dma_start3A_114 = tpu.memref_slice %arg4[%add3A_110, %dma_start3A_113] : memref<270336x128xf32, #tpu.memory_space<hbm>> -> memref<128x128xf32, #tpu.memory_space<hbm>>
      tpu.enqueue_dma source(%arg7 : memref<128x128xf32, #tpu.memory_space<vmem>>) target(%dma_start3A_114 : memref<128x128xf32, #tpu.memory_space<hbm>>) target_semaphore(%arg20 : memref<!tpu.dma_semaphore, #tpu.memory_space<semaphore_mem>>)
      %add3A_115 = arith.constant 2 : i32
      %add3A_116 = arith.addi %add3A_101, %add3A_115 : i32
      %lt3A_117 = arith.constant 66 : i32
      %lt3A_118 = arith.cmpi slt, %add3A_116, %lt3A_117 : i32
      %convert_element_type3A_119 = arith.extui %lt3A_118 : i1 to i32
      %cond3A_120 = arith.constant 0 : i32
      %cond3A_121 = arith.cmpi ne, %convert_element_type3A_119, %cond3A_120 : i32
      scf.if %cond3A_121 {
        %ge3A = arith.constant 6 : i32
        %ge3A_194 = arith.cmpi sge, %add3A_116, %ge3A : i32
        %convert_element_type3A_195 = arith.extui %ge3A_194 : i1 to i32
        %cond3A_196 = arith.constant 0 : i32
        %cond3A_197 = arith.cmpi ne, %convert_element_type3A_195, %cond3A_196 : i32
        scf.if %cond3A_197 {
          %sub3A = arith.constant 6 : i32
          %sub3A_204 = arith.subi %add3A_116, %sub3A : i32
          %mul3A_205 = arith.constant 128 : i32
          %mul3A_206 = arith.muli %sub3A_204, %mul3A_205 : i32
          %add3A_207 = arith.addi %mul3A_2, %mul3A_206 : i32
          %dma_wait3A_208 = arith.constant 0 : i32
          %dma_wait3A_209 = tpu.memref_slice %arg4[%add3A_207, %dma_wait3A_208] : memref<270336x128xf32, #tpu.memory_space<hbm>> -> memref<128x128xf32, #tpu.memory_space<hbm>>
          %dma_wait3A_210 = arith.constant 0 : i32
          %dma_wait3A_211 = tpu.memref_slice %arg4[%add3A_207, %dma_wait3A_210] : memref<270336x128xf32, #tpu.memory_space<hbm>> -> memref<128x128xf32, #tpu.memory_space<hbm>>
          tpu.wait_dma2 semaphore(%arg22 : memref<!tpu.dma_semaphore, #tpu.memory_space<semaphore_mem>>) src(%arg9 : memref<128x128xf32, #tpu.memory_space<vmem>>) dst(%dma_wait3A_211 : memref<128x128xf32, #tpu.memory_space<hbm>>)
        } else {
        }
        %mul3A_198 = arith.constant 128 : i32
        %mul3A_199 = arith.muli %add3A_116, %mul3A_198 : i32
        %dma_start3A_200 = tpu.memref_slice %arg17[%mul3A_199] : memref<8448xi32, #tpu.memory_space<vmem>> -> memref<128xi32, #tpu.memory_space<vmem>>
        %dma_start3A_201 = arith.constant 0 : i32
        %dma_start3A_202 = arith.constant 0 : i32
        %dma_start3A_203 = tpu.memref_slice %arg2[%dma_start3A_201, %dma_start3A_202] : memref<524288x128xf32, #tpu.memory_space<hbm>> -> memref<524288x128xf32, #tpu.memory_space<hbm>>
        tpu.enqueue_indirect_dma source(%dma_start3A_203 : memref<524288x128xf32, #tpu.memory_space<hbm>>) target(%arg9 : memref<128x128xf32, #tpu.memory_space<vmem>>) offsets(%dma_start3A_200 : memref<128xi32, #tpu.memory_space<vmem>>) semaphore(%arg15 : memref<!tpu.dma_semaphore, #tpu.memory_space<semaphore_mem>>)
      } else {
      }
      %mul3A_122 = arith.constant 6 : i32
      %mul3A_123 = arith.muli %scan3A_52, %mul3A_122 : i32
      %add3A_124 = arith.constant 3 : i32
      %add3A_125 = arith.addi %mul3A_123, %add3A_124 : i32
      %mul3A_126 = arith.constant 128 : i32
      %mul3A_127 = arith.muli %add3A_125, %mul3A_126 : i32
      %dma_wait3A_128 = tpu.memref_slice %arg17[%mul3A_127] : memref<8448xi32, #tpu.memory_space<vmem>> -> memref<128xi32, #tpu.memory_space<vmem>>
      %dma_wait3A_129 = arith.constant 0 : i32
      %dma_wait3A_130 = arith.constant 0 : i32
      %dma_wait3A_131 = tpu.memref_slice %arg2[%dma_wait3A_129, %dma_wait3A_130] : memref<524288x128xf32, #tpu.memory_space<hbm>> -> memref<524288x128xf32, #tpu.memory_space<hbm>>
      tpu.wait_indirect_dma semaphore(%arg14 : memref<!tpu.dma_semaphore, #tpu.memory_space<semaphore_mem>>) src(%dma_wait3A_131 : memref<524288x128xf32, #tpu.memory_space<hbm>>) dst(%arg8 : memref<128x128xf32, #tpu.memory_space<vmem>>)
      %mul3A_132 = arith.constant 128 : i32
      %mul3A_133 = arith.muli %add3A_125, %mul3A_132 : i32
      %add3A_134 = arith.addi %mul3A_2, %mul3A_133 : i32
      %dma_start3A_135 = arith.constant 0 : i32
      %dma_start3A_136 = tpu.memref_slice %arg4[%add3A_134, %dma_start3A_135] : memref<270336x128xf32, #tpu.memory_space<hbm>> -> memref<128x128xf32, #tpu.memory_space<hbm>>
      %dma_start3A_137 = arith.constant 0 : i32
      %dma_start3A_138 = tpu.memref_slice %arg4[%add3A_134, %dma_start3A_137] : memref<270336x128xf32, #tpu.memory_space<hbm>> -> memref<128x128xf32, #tpu.memory_space<hbm>>
      tpu.enqueue_dma source(%arg8 : memref<128x128xf32, #tpu.memory_space<vmem>>) target(%dma_start3A_138 : memref<128x128xf32, #tpu.memory_space<hbm>>) target_semaphore(%arg21 : memref<!tpu.dma_semaphore, #tpu.memory_space<semaphore_mem>>)
      %add3A_139 = arith.constant 2 : i32
      %add3A_140 = arith.addi %add3A_125, %add3A_139 : i32
      %lt3A_141 = arith.constant 66 : i32
      %lt3A_142 = arith.cmpi slt, %add3A_140, %lt3A_141 : i32
      %convert_element_type3A_143 = arith.extui %lt3A_142 : i1 to i32
      %cond3A_144 = arith.constant 0 : i32
      %cond3A_145 = arith.cmpi ne, %convert_element_type3A_143, %cond3A_144 : i32
      scf.if %cond3A_145 {
        %ge3A = arith.constant 6 : i32
        %ge3A_194 = arith.cmpi sge, %add3A_140, %ge3A : i32
        %convert_element_type3A_195 = arith.extui %ge3A_194 : i1 to i32
        %cond3A_196 = arith.constant 0 : i32
        %cond3A_197 = arith.cmpi ne, %convert_element_type3A_195, %cond3A_196 : i32
        scf.if %cond3A_197 {
          %sub3A = arith.constant 6 : i32
          %sub3A_204 = arith.subi %add3A_140, %sub3A : i32
          %mul3A_205 = arith.constant 128 : i32
          %mul3A_206 = arith.muli %sub3A_204, %mul3A_205 : i32
          %add3A_207 = arith.addi %mul3A_2, %mul3A_206 : i32
          %dma_wait3A_208 = arith.constant 0 : i32
          %dma_wait3A_209 = tpu.memref_slice %arg4[%add3A_207, %dma_wait3A_208] : memref<270336x128xf32, #tpu.memory_space<hbm>> -> memref<128x128xf32, #tpu.memory_space<hbm>>
          %dma_wait3A_210 = arith.constant 0 : i32
          %dma_wait3A_211 = tpu.memref_slice %arg4[%add3A_207, %dma_wait3A_210] : memref<270336x128xf32, #tpu.memory_space<hbm>> -> memref<128x128xf32, #tpu.memory_space<hbm>>
          tpu.wait_dma2 semaphore(%arg23 : memref<!tpu.dma_semaphore, #tpu.memory_space<semaphore_mem>>) src(%arg10 : memref<128x128xf32, #tpu.memory_space<vmem>>) dst(%dma_wait3A_211 : memref<128x128xf32, #tpu.memory_space<hbm>>)
        } else {
        }
        %mul3A_198 = arith.constant 128 : i32
        %mul3A_199 = arith.muli %add3A_140, %mul3A_198 : i32
        %dma_start3A_200 = tpu.memref_slice %arg17[%mul3A_199] : memref<8448xi32, #tpu.memory_space<vmem>> -> memref<128xi32, #tpu.memory_space<vmem>>
        %dma_start3A_201 = arith.constant 0 : i32
        %dma_start3A_202 = arith.constant 0 : i32
        %dma_start3A_203 = tpu.memref_slice %arg2[%dma_start3A_201, %dma_start3A_202] : memref<524288x128xf32, #tpu.memory_space<hbm>> -> memref<524288x128xf32, #tpu.memory_space<hbm>>
        tpu.enqueue_indirect_dma source(%dma_start3A_203 : memref<524288x128xf32, #tpu.memory_space<hbm>>) target(%arg10 : memref<128x128xf32, #tpu.memory_space<vmem>>) offsets(%dma_start3A_200 : memref<128xi32, #tpu.memory_space<vmem>>) semaphore(%arg16 : memref<!tpu.dma_semaphore, #tpu.memory_space<semaphore_mem>>)
      } else {
      }
      %mul3A_146 = arith.constant 6 : i32
      %mul3A_147 = arith.muli %scan3A_52, %mul3A_146 : i32
      %add3A_148 = arith.constant 4 : i32
      %add3A_149 = arith.addi %mul3A_147, %add3A_148 : i32
      %mul3A_150 = arith.constant 128 : i32
      %mul3A_151 = arith.muli %add3A_149, %mul3A_150 : i32
      %dma_wait3A_152 = tpu.memref_slice %arg17[%mul3A_151] : memref<8448xi32, #tpu.memory_space<vmem>> -> memref<128xi32, #tpu.memory_space<vmem>>
      %dma_wait3A_153 = arith.constant 0 : i32
      %dma_wait3A_154 = arith.constant 0 : i32
      %dma_wait3A_155 = tpu.memref_slice %arg2[%dma_wait3A_153, %dma_wait3A_154] : memref<524288x128xf32, #tpu.memory_space<hbm>> -> memref<524288x128xf32, #tpu.memory_space<hbm>>
      tpu.wait_indirect_dma semaphore(%arg15 : memref<!tpu.dma_semaphore, #tpu.memory_space<semaphore_mem>>) src(%dma_wait3A_155 : memref<524288x128xf32, #tpu.memory_space<hbm>>) dst(%arg9 : memref<128x128xf32, #tpu.memory_space<vmem>>)
      %mul3A_156 = arith.constant 128 : i32
      %mul3A_157 = arith.muli %add3A_149, %mul3A_156 : i32
      %add3A_158 = arith.addi %mul3A_2, %mul3A_157 : i32
      %dma_start3A_159 = arith.constant 0 : i32
      %dma_start3A_160 = tpu.memref_slice %arg4[%add3A_158, %dma_start3A_159] : memref<270336x128xf32, #tpu.memory_space<hbm>> -> memref<128x128xf32, #tpu.memory_space<hbm>>
      %dma_start3A_161 = arith.constant 0 : i32
      %dma_start3A_162 = tpu.memref_slice %arg4[%add3A_158, %dma_start3A_161] : memref<270336x128xf32, #tpu.memory_space<hbm>> -> memref<128x128xf32, #tpu.memory_space<hbm>>
      tpu.enqueue_dma source(%arg9 : memref<128x128xf32, #tpu.memory_space<vmem>>) target(%dma_start3A_162 : memref<128x128xf32, #tpu.memory_space<hbm>>) target_semaphore(%arg22 : memref<!tpu.dma_semaphore, #tpu.memory_space<semaphore_mem>>)
      %add3A_163 = arith.constant 2 : i32
      %add3A_164 = arith.addi %add3A_149, %add3A_163 : i32
      %lt3A_165 = arith.constant 66 : i32
      %lt3A_166 = arith.cmpi slt, %add3A_164, %lt3A_165 : i32
      %convert_element_type3A_167 = arith.extui %lt3A_166 : i1 to i32
      %cond3A_168 = arith.constant 0 : i32
      %cond3A_169 = arith.cmpi ne, %convert_element_type3A_167, %cond3A_168 : i32
      scf.if %cond3A_169 {
        %ge3A = arith.constant 6 : i32
        %ge3A_194 = arith.cmpi sge, %add3A_164, %ge3A : i32
        %convert_element_type3A_195 = arith.extui %ge3A_194 : i1 to i32
        %cond3A_196 = arith.constant 0 : i32
        %cond3A_197 = arith.cmpi ne, %convert_element_type3A_195, %cond3A_196 : i32
        scf.if %cond3A_197 {
          %sub3A = arith.constant 6 : i32
          %sub3A_204 = arith.subi %add3A_164, %sub3A : i32
          %mul3A_205 = arith.constant 128 : i32
          %mul3A_206 = arith.muli %sub3A_204, %mul3A_205 : i32
          %add3A_207 = arith.addi %mul3A_2, %mul3A_206 : i32
          %dma_wait3A_208 = arith.constant 0 : i32
          %dma_wait3A_209 = tpu.memref_slice %arg4[%add3A_207, %dma_wait3A_208] : memref<270336x128xf32, #tpu.memory_space<hbm>> -> memref<128x128xf32, #tpu.memory_space<hbm>>
          %dma_wait3A_210 = arith.constant 0 : i32
          %dma_wait3A_211 = tpu.memref_slice %arg4[%add3A_207, %dma_wait3A_210] : memref<270336x128xf32, #tpu.memory_space<hbm>> -> memref<128x128xf32, #tpu.memory_space<hbm>>
          tpu.wait_dma2 semaphore(%arg18 : memref<!tpu.dma_semaphore, #tpu.memory_space<semaphore_mem>>) src(%arg5 : memref<128x128xf32, #tpu.memory_space<vmem>>) dst(%dma_wait3A_211 : memref<128x128xf32, #tpu.memory_space<hbm>>)
        } else {
        }
        %mul3A_198 = arith.constant 128 : i32
        %mul3A_199 = arith.muli %add3A_164, %mul3A_198 : i32
        %dma_start3A_200 = tpu.memref_slice %arg17[%mul3A_199] : memref<8448xi32, #tpu.memory_space<vmem>> -> memref<128xi32, #tpu.memory_space<vmem>>
        %dma_start3A_201 = arith.constant 0 : i32
        %dma_start3A_202 = arith.constant 0 : i32
        %dma_start3A_203 = tpu.memref_slice %arg2[%dma_start3A_201, %dma_start3A_202] : memref<524288x128xf32, #tpu.memory_space<hbm>> -> memref<524288x128xf32, #tpu.memory_space<hbm>>
        tpu.enqueue_indirect_dma source(%dma_start3A_203 : memref<524288x128xf32, #tpu.memory_space<hbm>>) target(%arg5 : memref<128x128xf32, #tpu.memory_space<vmem>>) offsets(%dma_start3A_200 : memref<128xi32, #tpu.memory_space<vmem>>) semaphore(%arg11 : memref<!tpu.dma_semaphore, #tpu.memory_space<semaphore_mem>>)
      } else {
      }
      %mul3A_170 = arith.constant 6 : i32
      %mul3A_171 = arith.muli %scan3A_52, %mul3A_170 : i32
      %add3A_172 = arith.constant 5 : i32
      %add3A_173 = arith.addi %mul3A_171, %add3A_172 : i32
      %mul3A_174 = arith.constant 128 : i32
      %mul3A_175 = arith.muli %add3A_173, %mul3A_174 : i32
      %dma_wait3A_176 = tpu.memref_slice %arg17[%mul3A_175] : memref<8448xi32, #tpu.memory_space<vmem>> -> memref<128xi32, #tpu.memory_space<vmem>>
      %dma_wait3A_177 = arith.constant 0 : i32
      %dma_wait3A_178 = arith.constant 0 : i32
      %dma_wait3A_179 = tpu.memref_slice %arg2[%dma_wait3A_177, %dma_wait3A_178] : memref<524288x128xf32, #tpu.memory_space<hbm>> -> memref<524288x128xf32, #tpu.memory_space<hbm>>
      tpu.wait_indirect_dma semaphore(%arg16 : memref<!tpu.dma_semaphore, #tpu.memory_space<semaphore_mem>>) src(%dma_wait3A_179 : memref<524288x128xf32, #tpu.memory_space<hbm>>) dst(%arg10 : memref<128x128xf32, #tpu.memory_space<vmem>>)
      %mul3A_180 = arith.constant 128 : i32
      %mul3A_181 = arith.muli %add3A_173, %mul3A_180 : i32
      %add3A_182 = arith.addi %mul3A_2, %mul3A_181 : i32
      %dma_start3A_183 = arith.constant 0 : i32
      %dma_start3A_184 = tpu.memref_slice %arg4[%add3A_182, %dma_start3A_183] : memref<270336x128xf32, #tpu.memory_space<hbm>> -> memref<128x128xf32, #tpu.memory_space<hbm>>
      %dma_start3A_185 = arith.constant 0 : i32
      %dma_start3A_186 = tpu.memref_slice %arg4[%add3A_182, %dma_start3A_185] : memref<270336x128xf32, #tpu.memory_space<hbm>> -> memref<128x128xf32, #tpu.memory_space<hbm>>
      tpu.enqueue_dma source(%arg10 : memref<128x128xf32, #tpu.memory_space<vmem>>) target(%dma_start3A_186 : memref<128x128xf32, #tpu.memory_space<hbm>>) target_semaphore(%arg23 : memref<!tpu.dma_semaphore, #tpu.memory_space<semaphore_mem>>)
      %add3A_187 = arith.constant 2 : i32
      %add3A_188 = arith.addi %add3A_173, %add3A_187 : i32
      %lt3A_189 = arith.constant 66 : i32
      %lt3A_190 = arith.cmpi slt, %add3A_188, %lt3A_189 : i32
      %convert_element_type3A_191 = arith.extui %lt3A_190 : i1 to i32
      %cond3A_192 = arith.constant 0 : i32
      %cond3A_193 = arith.cmpi ne, %convert_element_type3A_191, %cond3A_192 : i32
      scf.if %cond3A_193 {
        %ge3A = arith.constant 6 : i32
        %ge3A_194 = arith.cmpi sge, %add3A_188, %ge3A : i32
        %convert_element_type3A_195 = arith.extui %ge3A_194 : i1 to i32
        %cond3A_196 = arith.constant 0 : i32
        %cond3A_197 = arith.cmpi ne, %convert_element_type3A_195, %cond3A_196 : i32
        scf.if %cond3A_197 {
          %sub3A = arith.constant 6 : i32
          %sub3A_204 = arith.subi %add3A_188, %sub3A : i32
          %mul3A_205 = arith.constant 128 : i32
          %mul3A_206 = arith.muli %sub3A_204, %mul3A_205 : i32
          %add3A_207 = arith.addi %mul3A_2, %mul3A_206 : i32
          %dma_wait3A_208 = arith.constant 0 : i32
          %dma_wait3A_209 = tpu.memref_slice %arg4[%add3A_207, %dma_wait3A_208] : memref<270336x128xf32, #tpu.memory_space<hbm>> -> memref<128x128xf32, #tpu.memory_space<hbm>>
          %dma_wait3A_210 = arith.constant 0 : i32
          %dma_wait3A_211 = tpu.memref_slice %arg4[%add3A_207, %dma_wait3A_210] : memref<270336x128xf32, #tpu.memory_space<hbm>> -> memref<128x128xf32, #tpu.memory_space<hbm>>
          tpu.wait_dma2 semaphore(%arg19 : memref<!tpu.dma_semaphore, #tpu.memory_space<semaphore_mem>>) src(%arg6 : memref<128x128xf32, #tpu.memory_space<vmem>>) dst(%dma_wait3A_211 : memref<128x128xf32, #tpu.memory_space<hbm>>)
        } else {
        }
        %mul3A_198 = arith.constant 128 : i32
        %mul3A_199 = arith.muli %add3A_188, %mul3A_198 : i32
        %dma_start3A_200 = tpu.memref_slice %arg17[%mul3A_199] : memref<8448xi32, #tpu.memory_space<vmem>> -> memref<128xi32, #tpu.memory_space<vmem>>
        %dma_start3A_201 = arith.constant 0 : i32
        %dma_start3A_202 = arith.constant 0 : i32
        %dma_start3A_203 = tpu.memref_slice %arg2[%dma_start3A_201, %dma_start3A_202] : memref<524288x128xf32, #tpu.memory_space<hbm>> -> memref<524288x128xf32, #tpu.memory_space<hbm>>
        tpu.enqueue_indirect_dma source(%dma_start3A_203 : memref<524288x128xf32, #tpu.memory_space<hbm>>) target(%arg6 : memref<128x128xf32, #tpu.memory_space<vmem>>) offsets(%dma_start3A_200 : memref<128xi32, #tpu.memory_space<vmem>>) semaphore(%arg12 : memref<!tpu.dma_semaphore, #tpu.memory_space<semaphore_mem>>)
      } else {
      }
    }
    %scan3A_16 = arith.constant 11 : i32
    %add3A_17 = arith.constant 7680 : i32
    %add3A_18 = arith.addi %mul3A_2, %add3A_17 : i32
    %dma_wait3A = arith.constant 0 : i32
    %dma_wait3A_19 = tpu.memref_slice %arg4[%add3A_18, %dma_wait3A] : memref<270336x128xf32, #tpu.memory_space<hbm>> -> memref<128x128xf32, #tpu.memory_space<hbm>>
    %dma_wait3A_20 = arith.constant 0 : i32
    %dma_wait3A_21 = tpu.memref_slice %arg4[%add3A_18, %dma_wait3A_20] : memref<270336x128xf32, #tpu.memory_space<hbm>> -> memref<128x128xf32, #tpu.memory_space<hbm>>
    tpu.wait_dma2 semaphore(%arg18 : memref<!tpu.dma_semaphore, #tpu.memory_space<semaphore_mem>>) src(%arg5 : memref<128x128xf32, #tpu.memory_space<vmem>>) dst(%dma_wait3A_21 : memref<128x128xf32, #tpu.memory_space<hbm>>)
    %add3A_22 = arith.constant 7808 : i32
    %add3A_23 = arith.addi %mul3A_2, %add3A_22 : i32
    %dma_wait3A_24 = arith.constant 0 : i32
    %dma_wait3A_25 = tpu.memref_slice %arg4[%add3A_23, %dma_wait3A_24] : memref<270336x128xf32, #tpu.memory_space<hbm>> -> memref<128x128xf32, #tpu.memory_space<hbm>>
    %dma_wait3A_26 = arith.constant 0 : i32
    %dma_wait3A_27 = tpu.memref_slice %arg4[%add3A_23, %dma_wait3A_26] : memref<270336x128xf32, #tpu.memory_space<hbm>> -> memref<128x128xf32, #tpu.memory_space<hbm>>
    tpu.wait_dma2 semaphore(%arg19 : memref<!tpu.dma_semaphore, #tpu.memory_space<semaphore_mem>>) src(%arg6 : memref<128x128xf32, #tpu.memory_space<vmem>>) dst(%dma_wait3A_27 : memref<128x128xf32, #tpu.memory_space<hbm>>)
    %add3A_28 = arith.constant 7936 : i32
    %add3A_29 = arith.addi %mul3A_2, %add3A_28 : i32
    %dma_wait3A_30 = arith.constant 0 : i32
    %dma_wait3A_31 = tpu.memref_slice %arg4[%add3A_29, %dma_wait3A_30] : memref<270336x128xf32, #tpu.memory_space<hbm>> -> memref<128x128xf32, #tpu.memory_space<hbm>>
    %dma_wait3A_32 = arith.constant 0 : i32
    %dma_wait3A_33 = tpu.memref_slice %arg4[%add3A_29, %dma_wait3A_32] : memref<270336x128xf32, #tpu.memory_space<hbm>> -> memref<128x128xf32, #tpu.memory_space<hbm>>
    tpu.wait_dma2 semaphore(%arg20 : memref<!tpu.dma_semaphore, #tpu.memory_space<semaphore_mem>>) src(%arg7 : memref<128x128xf32, #tpu.memory_space<vmem>>) dst(%dma_wait3A_33 : memref<128x128xf32, #tpu.memory_space<hbm>>)
    %add3A_34 = arith.constant 8064 : i32
    %add3A_35 = arith.addi %mul3A_2, %add3A_34 : i32
    %dma_wait3A_36 = arith.constant 0 : i32
    %dma_wait3A_37 = tpu.memref_slice %arg4[%add3A_35, %dma_wait3A_36] : memref<270336x128xf32, #tpu.memory_space<hbm>> -> memref<128x128xf32, #tpu.memory_space<hbm>>
    %dma_wait3A_38 = arith.constant 0 : i32
    %dma_wait3A_39 = tpu.memref_slice %arg4[%add3A_35, %dma_wait3A_38] : memref<270336x128xf32, #tpu.memory_space<hbm>> -> memref<128x128xf32, #tpu.memory_space<hbm>>
    tpu.wait_dma2 semaphore(%arg21 : memref<!tpu.dma_semaphore, #tpu.memory_space<semaphore_mem>>) src(%arg8 : memref<128x128xf32, #tpu.memory_space<vmem>>) dst(%dma_wait3A_39 : memref<128x128xf32, #tpu.memory_space<hbm>>)
    %add3A_40 = arith.constant 8192 : i32
    %add3A_41 = arith.addi %mul3A_2, %add3A_40 : i32
    %dma_wait3A_42 = arith.constant 0 : i32
    %dma_wait3A_43 = tpu.memref_slice %arg4[%add3A_41, %dma_wait3A_42] : memref<270336x128xf32, #tpu.memory_space<hbm>> -> memref<128x128xf32, #tpu.memory_space<hbm>>
    %dma_wait3A_44 = arith.constant 0 : i32
    %dma_wait3A_45 = tpu.memref_slice %arg4[%add3A_41, %dma_wait3A_44] : memref<270336x128xf32, #tpu.memory_space<hbm>> -> memref<128x128xf32, #tpu.memory_space<hbm>>
    tpu.wait_dma2 semaphore(%arg22 : memref<!tpu.dma_semaphore, #tpu.memory_space<semaphore_mem>>) src(%arg9 : memref<128x128xf32, #tpu.memory_space<vmem>>) dst(%dma_wait3A_45 : memref<128x128xf32, #tpu.memory_space<hbm>>)
    %add3A_46 = arith.constant 8320 : i32
    %add3A_47 = arith.addi %mul3A_2, %add3A_46 : i32
    %dma_wait3A_48 = arith.constant 0 : i32
    %dma_wait3A_49 = tpu.memref_slice %arg4[%add3A_47, %dma_wait3A_48] : memref<270336x128xf32, #tpu.memory_space<hbm>> -> memref<128x128xf32, #tpu.memory_space<hbm>>
    %dma_wait3A_50 = arith.constant 0 : i32
    %dma_wait3A_51 = tpu.memref_slice %arg4[%add3A_47, %dma_wait3A_50] : memref<270336x128xf32, #tpu.memory_space<hbm>> -> memref<128x128xf32, #tpu.memory_space<hbm>>
    tpu.wait_dma2 semaphore(%arg23 : memref<!tpu.dma_semaphore, #tpu.memory_space<semaphore_mem>>) src(%arg10 : memref<128x128xf32, #tpu.memory_space<vmem>>) dst(%dma_wait3A_51 : memref<128x128xf32, #tpu.memory_space<hbm>>)
    return
  }
}

</mosaic_0001>

<sc_bundles>
// kernel: _spd_vectorize.3.cloned.1.call-start
scs
__scs_entry_jumppad:
0x0: {  	(pc) =	sbr.rel $0x88, $3  }
0x1: {  	(tag) =	ssettag $0x0;
	lr =	simm.s32 $0x1  }
0x2: {  	[smem:$0x3F9F] =	sst lr;
	_ =	strace $0xD0000000  }
0x3: {  	_ = 	snop  }
0x4: {  	_ = 	snop  }
0x5: {  	_ = 	snop  }
0x6: {  	_ = 	snop  }
0x7: {  	_ = 	snop  }
__scs_overlays_trampoline_lowered:
0x8: {  	[smem:$0x3FAE] =	sst s0  }
0x9: {  	[smem:$0x3FAF] =	sst s1  }
0xa: {  	[smem:$0x3FB0] =	sst s2  }
0xb: {  	[smem:$0x3FB1] =	sst s3  }
0xc: {  	[smem:$0x3FB2] =	sst s4  }
0xd: {  	[smem:$0x3FB3] =	sst s5  }
0xe: {  	[smem:$0x3FB4] =	sst s6  }
0xf: {  	[smem:$0x3FB5] =	sst s7  }
0x10: {  	[smem:$0x3FB6] =	sst s8  }
0x11: {  	[smem:$0x3FB7] =	sst s9;
	s0 =	simm.s32 @!p0 $0x0  }
0x12: {  	s1 =	sld [smem:$0x3F9D];
	s0 =	simm.s32 @p0 $0x1  }
0x13: {  	[smem:$0x3FB8] =	sst s0;
	s0 =	simm.s32 @!p1 $0x0  }
0x14: {  	s2 =	sld [smem:$0x3F9C];
	s0 =	simm.s32 @p1 $0x1  }
0x15: {  	[smem:$0x3FB9] =	sst s0;
	s0 =	simm.s32 @!p2 $0x0  }
0x16: {  	s3 =	sld [smem:$0x3FDB];
	s0 =	simm.s32 @p2 $0x1  }
0x17: {  	s4 =	simm.s32 $0x1BF5;
	[smem:$0x3FBB] =	sst s0  }
0x18: {  	s0 =	sld [smem:$0x3F9E];
	_ =	swait.ge [sflag:s4], $0x0  }
0x19: {  	s7 =	sld [smem:$0x3F9F]  }
0x1a: {  	s8 =	sadd.s32 $0xFFFFE003, lr  }
0x1b: {  	s9 =	sadd.s32 $0xFFFFFEF7, lr;
	s5 =	simm.s32 $0xFFFFFFFF;
	p2 =	slt.u32 s8, $0xFFFFF086  }
0x1c: {  	p1 =	slt.u32 s9, $0xF7A;
	s5 =	simm.s32 @!p2 $0x0  }
0x1d: {  	s5 =	simm.s32 @p1 $0x1;
	p0 =	seq.s32 s7, s2  }
0x1e: {  	s7 =	smul.u32 @!p0 $0xF7A, s2;
	p2 =	seq.s32 @!p0 s5, $0x0  }
0x1f: {  	s9 =	smul.u32 $0xF7A, s1;
	s8 =	simm.s32 @!p0 $0x1BF5;
	p2 =	por !p2, p0  }
0x20: {  	[sflag:s8] =	ssyncset.s32 @!p0 $0xFFFFF086;
	s6 =	sadd.s32 @!p0 s3, s7;
	s7 =	simm.s32 @!p0 $0x108  }
0x21: {  	s3 =	sadd.s32 s3, s9;
	s6 =	sadd.s32 @!p0 $0x88, s6;
	s7 =	simm.s32 @p2 $0x1082  }
0x22: {  	[simem:s7], [sflag:s8] =	dma.local @!p0 [hbm:s6], $0xF7A  }
0x23: {  	s9 =	sor.u32 $0xD0000000, s2;
	s6 =	simm.s32 $0x108;
	_ =	swait.ge @!p0 [sflag:s8], $0x0  }
0x24: {  	s3 =	sadd.s32 $0x88, s3;
	s6 =	simm.s32 @!p1 $0x1082;
	[sflag:s4] =	ssyncset.s32 $0xFFFFF086  }
0x25: {  	[simem:s6], [sflag:s4] =	dma.local [hbm:s3], $0xF7A  }
0x26: {  	[smem:$0x3F9F] =	sst s1;
	(tag) =	ssettag s2;
	_ =	strace s9  }
0x27: {  	s1 =	sld [smem:$0x3FAF]  }
0x28: {  	s2 =	sld [smem:$0x3FB0]  }
0x29: {  	s4 =	sld [smem:$0x3FB2]  }
0x2a: {  	p0 =	seq.s32 s5, $0x0;
	s5 =	sld [smem:$0x3FB3]  }
0x2b: {  	s6 =	sld [smem:$0x3FB4]  }
0x2c: {  	s7 =	sld [smem:$0x3FB5]  }
0x2d: {  	s3 =	simm.s32 $0x108;
	s8 =	sld [smem:$0x3FB6]  }
0x2e: {  	s3 =	simm.s32 @!p0 $0x1082;
	s9 =	sld [smem:$0x3FB7]  }
0x2f: {  	lr =	sadd.s32 s0, s3;
	s0 =	sld [smem:$0x3FAE]  }
0x30: {  	s3 =	sld [smem:$0x3FB1]  }
0x31: {  	[smem:$0x3FBA] =	sst s10  }
0x32: {  	s10 =	sld [smem:$0x3FB8];
	_ =	sdelay $0x3  }
0x33: {  	p0 =	seq.s32 s10, $0x1;
	s10 =	sld [smem:$0x3FBA];
	_ =	sdelay $0x3  }
0x34: {  	[smem:$0x3FBA] =	sst s10  }
0x35: {  	s10 =	sld [smem:$0x3FB9];
	_ =	sdelay $0x3  }
0x36: {  	p1 =	seq.s32 s10, $0x1;
	s10 =	sld [smem:$0x3FBA];
	_ =	sdelay $0x3  }
0x37: {  	[smem:$0x3FBA] =	sst s10  }
0x38: {  	s10 =	sld [smem:$0x3FBB]  }
0x39: {  	_ = 	snop;
	(pc) =	sbr.ind lr, $3  }
0x3a: {  	_ = 	snop  }
0x3b: {  	_ = 	snop  }
0x3c: {  	p2 =	seq.s32 s10, $0x1;
	s10 =	sld [smem:$0x3FBA]  }
0x3d: {  	_ =	shalt  }
0x3e: {  	_ =	shalt  }
0x3f: {  	_ =	shalt  }
0x40: {  	_ =	shalt  }
0x41: {  	_ =	shalt  }
0x42: {  	_ =	shalt  }
0x43: {  	_ =	shalt  }
0x44: {  	_ =	shalt  }
0x45: {  	_ =	shalt  }
0x46: {  	_ =	shalt  }
0x47: {  	_ =	shalt  }
0x48: {  	_ =	shalt  }
0x49: {  	_ =	shalt  }
0x4a: {  	_ =	shalt  }
0x4b: {  	_ =	shalt  }
0x4c: {  	_ =	shalt  }
0x4d: {  	_ =	shalt  }
0x4e: {  	_ =	shalt  }
0x4f: {  	_ =	shalt  }
0x50: {  	_ =	shalt  }
0x51: {  	_ =	shalt  }
0x52: {  	_ =	shalt  }
0x53: {  	_ =	shalt  }
0x54: {  	_ =	shalt  }
0x55: {  	_ =	shalt  }
0x56: {  	_ =	shalt  }
0x57: {  	_ =	shalt  }
0x58: {  	_ =	shalt  }
0x59: {  	_ =	shalt  }
0x5a: {  	_ =	shalt  }
0x5b: {  	_ =	shalt  }
0x5c: {  	_ =	shalt  }
0x5d: {  	_ =	shalt  }
0x5e: {  	_ =	shalt  }
0x5f: {  	_ =	shalt  }
0x60: {  	_ =	shalt  }
0x61: {  	_ =	shalt  }
0x62: {  	_ =	shalt  }
0x63: {  	_ =	shalt  }
0x64: {  	_ =	shalt  }
0x65: {  	_ =	shalt  }
0x66: {  	_ =	shalt  }
0x67: {  	_ =	shalt  }
0x68: {  	_ =	shalt  }
0x69: {  	_ =	shalt  }
0x6a: {  	_ =	shalt  }
0x6b: {  	_ =	shalt  }
0x6c: {  	_ =	shalt  }
0x6d: {  	_ =	shalt  }
0x6e: {  	_ =	shalt  }
0x6f: {  	_ =	shalt  }
0x70: {  	_ =	shalt  }
0x71: {  	_ =	shalt  }
0x72: {  	_ =	shalt  }
0x73: {  	_ =	shalt  }
0x74: {  	_ =	shalt  }
0x75: {  	_ =	shalt  }
0x76: {  	_ =	shalt  }
0x77: {  	_ =	shalt  }
0x78: {  	_ =	shalt  }
0x79: {  	_ =	shalt  }
0x7a: {  	_ =	shalt  }
0x7b: {  	_ =	shalt  }
0x7c: {  	_ =	shalt  }
0x7d: {  	_ =	shalt  }
0x7e: {  	_ =	shalt  }
0x7f: {  	_ =	shalt  }
0x80: {  	_ =	shalt  }
0x81: {  	_ =	shalt  }
0x82: {  	_ =	shalt  }
0x83: {  	_ =	shalt  }
0x84: {  	_ =	shalt  }
0x85: {  	_ =	shalt  }
0x86: {  	_ =	shalt  }
0x87: {  	_ =	shalt  }
.Lfunc_end0:
.L_simem_size_0:
called_computation_lowered:
.L_overlay_start_0:
0x88: {  	s2 =	sld [smem:$0x3FD9]  }
0x89: {  	s3 =	sld [smem:$0x3FFE];
	_ =	sdelay $0x1  }
0x8a: {  	s1 =	srdreg.scid  }
0x8b: {  	s0 =	sand.u32 $0x1, s1  }
0x8c: {  	s18 =	sshll.u32 s0, $0xA;
	s2 =	sadd.s32 s3, s2  }
0x8d: {  	s2 =	sadd.s32 s2, s18  }
0x8e: {  	[smem:$0x3FC6] =	sst s2  }
0x8f: {  	_ = 	snop  }
0x90: {  	s2 =	sld [smem:$0x3FC9]  }
0x91: {  	s19 =	sld [smem:$0x3FC8]  }
0x92: {  	s4 =	sld [smem:$0x3FD0];
	(tm) =	ssettm $0x1  }
0x93: {  	s5 =	sld [smem:$0x3FFB];
	_ =	sdelay $0x3  }
0x94: {  	_ =	strace s5  }
0x95: {  	s5 =	sld [smem:$0x3FFC];
	_ =	sdelay $0x3  }
0x96: {  	_ =	strace s5  }
0x97: {  	s5 =	sld [smem:$0x3FFD];
	_ =	sdelay $0x3  }
0x98: {  	_ =	strace s5  }
0x99: {  	_ =	strace $0x8FFFFFFF  }
0x9a: {  	s20 =	sld [smem:$0x3FDB];
	_ =	sdelay $0x1  }
0x9b: {  	s6 =	simm.s32 $_scs_section_size  }
0x9c: {  	s7 =	simm.s32 $_size__tile_overlayer_lowered;
	s8 =	simm.s32 $_tile_overlayer_lowered  }
0x9d: {  	s23 =	simm.s32 $0x1BFF;
	s22 =	sshll.u32 s8, $0x1;
	s5 =	sadd.s32 s6, s20  }
0x9e: {  	s9 =	simm.s32 $0x0;
	s21 =	sshll.u32 s7, $0x1;
	s7 =	sadd.s32 s22, s5  }
0x9f: {  	[timem:s9], [sflag:s23] =	dma.local [hbm:s7], s21  }
0xa0: {  	_ =	swait.ge [sflag:s23], s21  }
0xa1: {  	s6 =	ssub.s32 $0x0, s21;
	[sflag:s23] =	ssyncset.done $0x0  }
0xa2: {  	[sflag:s23] =	ssyncadd.s32 s6;
	_ =	sdelay $0x1  }
0xa3: {  	s24 =	simm.s32 $0x1B8B  }
0xa4: {  	_ =	swait.ge [sflag:s24], $0x1  }
0xa5: {  	[sflag:s24] =	ssyncset.done $0x0  }
0xa6: {  	s25 =	simm.s32 $0x1B8E;
	[sflag:s24] =	ssyncadd.s32 $0xFFFFFFFF  }
0xa7: {  	s26 =	simm.s32 $execute0_lowered;
	[smem:$0x3FD2] =	sst s25  }
0xa8: {  	s6 =	sshll.u32 s26, $0x1;
	_ =	strace $0x80000046;
	[dreg:$0x1] =	wrdreg $0xFFFFFFFF  }
0xa9: {  	s28 =	simm.s32 $_size_execute0_lowered;
	s5 =	sadd.s32 s5, s6;
	[dreg:$0x0] =	wrdreg $0x0  }
0xaa: {  	s6 =	sshll.u32 s28, $0x1;
	[dreg:$0x2] =	wrdreg s5  }
0xab: {  	[dreg:$0x3] =	wrdreg s6  }
0xac: {  	[dreg:$0x4] =	wrdreg $0xC0  }
0xad: {  	_ =	task [dreg:s9], $0x5FFFF  }
0xae: {  	[dreg:$0x1] =	wrdreg $0xFFFFFFFF  }
0xaf: {  	[dreg:$0x0] =	wrdreg $0x60  }
0xb0: {  	[dreg:$0x2] =	wrdreg s2  }
0xb1: {  	[dreg:$0x3] =	wrdreg s19  }
0xb2: {  	[dreg:$0x4] =	wrdreg s4  }
0xb3: {  	[dreg:$0x5] =	wrdreg $0x9  }
0xb4: {  	_ =	task.clear_ibuf [dreg:s9], $0x6FFFF;
	_ =	strace $0x90000046  }
0xb5: {  	s29 =	simm.s32 $0x9;
	_ =	strace $0x80000048  }
0xb6: {  	_ =	swait.ge [sflag:s29], $0x1  }
0xb7: {  	[sflag:s29] =	ssyncadd.s32 $0xFFFFFFFF  }
0xb8: {  	_ =	strace $0x90000048  }
0xb9: {  	_ =	sfence  }
0xba: {  	s30 =	sld [smem:$0x0];
	_ =	sdelay $0x2  }
0xbb: {  	s31 =	sshll.u32 s1, $0xD;
	s1 =	sshrl.u32 s1, $0x2  }
0xbc: {  	s3 =	sand.u32 $0x4000, s31;
	s1 =	sadd.s32 s1, s30  }
0xbd: {  	s0 =	sor.u32 s3, s0;
	s1 =	sshll.u32 s1, $0x11  }
0xbe: {  	s0 =	sor.u32 s1, s0  }
0xbf: {  	s0 =	sadd.s32 $0x8F2B, s0  }
0xc0: {  	[sflag:s0] =	ssyncadd.remote.s32 $0x1  }
0xc1: {  	_ =	sfence.sel $0xFFFF  }
0xc2: {  	[dreg:$0x0] =	wrdreg $0xFFFFFFFF;
	(pc) =	sbr.abs _section_cstart, $3  }
0xc3: {  	[dreg:$0x1] =	wrdreg $0xFFFFFFFF  }
0xc4: {  	_ =	task.clear_ibuf [dreg:s9], $0x2FFFF;
	_ =	strace $0x9FFFFFFF  }
0xc5: {  	(tm) =	ssettm $0x7FFFFFFF  }
tec
execute0_lowered:
.L_overlay_start_1:
0x0: {  	(tag) =	ssettag $0x1  }
0x1: {  	s1 =	rddreg [dreg:$0x0];
	s0 =	srdreg.scid  }
0x2: {  	s9 =	stileid.u32;
	s2 =	rddreg [dreg:$0x1]  }
0x3: {  	s4 =	simm.s32 $0x0;
	s14 =	simm.s32 $0x80;
	s16 =	simm.s32 $0x4000  }
0x4: {  	s17 =	simm.s32 $0x1;
	s18 =	simm.s32 $0x8000;
	s19 =	simm.s32 $0x2  }
0x5: {  	s20 =	simm.s32 $0xC000;
	s21 =	simm.s32 $0x3;
	s29 =	simm.s32 $0x8  }
0x6: {  	s30 =	simm.s32 $0x9;
	s31 =	simm.s32 $0xA;
	s6 =	smul.u32 $0x210000, s9  }
0x7: {  	s0 =	sand.u32 $0x1, s0;
	s3 =	sshll.u32 s9, $0x1;
	s22 =	smul.u32 $0x42000, s9  }
0x8: {  	[smem:$0x7FF] =	sst s4;
	s5 =	ssub.s32 $0x2, s0;
	s8 =	smul.u32 $0x108000, s0  }
0x9: {  	s3 =	sor.u32 s0, s3;
	s0 =	smul.u32 $0x21000, s0;
	s7 =	sshrl.u32 s5, $0x1  }
0xa: {  	_ =	strace $0x80000047;
	s3 =	smul.u32 $0x2100, s3;
	s5 =	ssub.s32 s5, s7  }
0xb: {  	s6 =	sadd.s32 s8, s6;
	s7 =	sadd.s32 s0, s22;
	s22 =	simm.s32 $0x10000  }
0xc: {  	s0 =	simm.s32 $0xC;
	s3 =	sshrl.u32 s3, $0x3;
	s23 =	smax.u32 s5, $0x1  }
0xd: {  	s24 =	sadd.s32 $0x14000, s6;
	s25 =	sadd.s32 $0x10000, s6;
	s26 =	sadd.s32 $0xC000, s6  }
.Ltmp0:
0xe: {  	s28 =	sadd.s32 $0x8000, s6;
	s2 =	sadd.s32 s2, s3;
	(pc) =	sbr.rel .LBB2_1-.Ltmp0, $4  }
0xf: {  	[dreg:$0x5] =	wrdreg s23;
	s8 =	sshrl.u32 s24, $0x3;
	s9 =	sshrl.u32 s25, $0x3  }
0x10: {  	s10 =	sshrl.u32 s26, $0x3;
	s11 =	sshrl.u32 s28, $0x3;
	s23 =	simm.s32 $0x4  }
0x11: {  	s24 =	simm.s32 $0x14000;
	s25 =	simm.s32 $0x5;
	s26 =	simm.s32 $0x6  }
0x12: {  	s3 =	simm.s32 $0x0;
	[dreg:$0x4] =	wrdreg s2;
	s2 =	simm.s32 $0xB  }
.LBB2_4:
0x13: {  	s5 =	simm.s32 $0x7  }
0x14: {  	_ =	swait.ge [sflag:s5], $0x4000  }
0x15: {  	[sflag:s5] =	ssyncset.done $0x0  }
0x16: {  	[sflag:s5] =	ssyncadd.s32 $0xFFFFC000  }
0x17: {  	_ =	swait.ge [sflag:s29], $0x4000  }
0x18: {  	[sflag:s29] =	ssyncset.done $0x0  }
0x19: {  	[sflag:s29] =	ssyncadd.s32 $0xFFFFC000  }
0x1a: {  	_ =	swait.ge [sflag:s30], $0x4000  }
0x1b: {  	[sflag:s30] =	ssyncset.done $0x0  }
0x1c: {  	[sflag:s30] =	ssyncadd.s32 $0xFFFFC000  }
0x1d: {  	_ =	swait.ge [sflag:s31], $0x4000  }
0x1e: {  	[sflag:s31] =	ssyncset.done $0x0  }
0x1f: {  	[sflag:s31] =	ssyncadd.s32 $0xFFFFC000  }
0x20: {  	_ =	swait.ge [sflag:s2], $0x4000  }
0x21: {  	[sflag:s2] =	ssyncset.done $0x0  }
0x22: {  	[sflag:s2] =	ssyncadd.s32 $0xFFFFC000  }
0x23: {  	_ =	swait.ge [sflag:s0], $0x4000  }
0x24: {  	s3 =	sadd.s32 $0x1, s3;
	s28 =	rddreg [dreg:$0x5]  }
0x25: {  	p0 =	sne.s32 s3, s28  }
.Ltmp1:
0x26: {  	_ = 	snop;
	(pc) =	sbr.rel @!p0 .LBB2_5-.Ltmp1, $3  }
0x27: {  	_ =	sdelay $0x1  }
0x28: {  	[sflag:s0] =	ssyncset.done $0x0  }
0x29: {  	[sflag:s0] =	ssyncadd.s32 $0xFFFFC000  }
.LBB2_1:
0x2a: {  	s5 =	rddreg [dreg:$0x4];
	s6 =	simm.s32 $0x18000;
	s15 =	simm.s32 $0xD  }
0x2b: {  	[tilespmem:s6], [sflag:$0xD] =	stream.linear.gather [hbm4b:s5+s4], $0x2100, $0x38;
	[tilespmem:$0x1A100] =	vst v63  }
0x2c: {  	_ =	swait.ge [sflag:s15], $0x2100  }
0x2d: {  	[sflag:s15] =	ssyncset.done $0x0  }
0x2e: {  	[sflag:s15] =	ssyncadd.s32 $0xFFFFDF00  }
0x2f: {  	[tilespmem:s4], [sflag:$0x1] =	stream.indirect.gather [hbm4b:s1+s14], $0x80, s6, s14, $0xb8;
	[tilespmem:$0x1A100] =	vst v63  }
0x30: {  	s28 =	simm.s32 $0x18080;
	s5 =	simm.s32 $0x0;
	s15 =	rddreg [dreg:$0x2]  }
0x31: {  	[tilespmem:s16], [sflag:$0x2] =	stream.indirect.gather [hbm4b:s1+s14], $0x80, s28, s14, $0xb8;
	[tilespmem:$0x1A100] =	vst v63  }
.LBB2_2:
0x32: {  	_ =	swait.ge [sflag:s17], $0x4000  }
0x33: {  	p0 =	seq.s32 s5, $0x0;
	[sflag:s17] =	ssyncset.done $0x0  }
0x34: {  	s12 =	sadd.s32 s15, s7;
	s13 =	simm.s32 @!p0 $0x9;
	[sflag:s17] =	ssyncadd.s32 $0xFFFFC000  }
0x35: {  	[hbm4b:s12+s4] =	stream.linear.scatter [tilespmem:s4], [sflag:$0x7], $0x4000, $0x38;
	[tilespmem:$0x1A100] =	vst v63  }
0x36: {  	_ =	swait.ge @!p0 [sflag:s13], $0x4000  }
0x37: {  	s6 =	sshra.s32 s5, $0x2;
	[sflag:s13] =	ssyncset.done @!p0 $0x0  }
0x38: {  	s28 =	sadd.s32 $0x18100, s6;
	[sflag:s13] =	ssyncadd.s32 @!p0 $0xFFFFC000  }
0x39: {  	[tilespmem:s18], [sflag:$0x3] =	stream.indirect.gather [hbm4b:s1+s14], $0x80, s28, s14, $0xb8;
	[tilespmem:$0x1A100] =	vst v63  }
0x3a: {  	_ =	swait.ge [sflag:s19], $0x4000  }
0x3b: {  	[sflag:s19] =	ssyncset.done $0x0  }
0x3c: {  	s12 =	sadd.s32 $0x800, s12;
	[sflag:s19] =	ssyncadd.s32 $0xFFFFC000  }
0x3d: {  	[hbm4b:s12+s4] =	stream.linear.scatter [tilespmem:s16], [sflag:$0x8], $0x4000, $0x38;
	[tilespmem:$0x1A100] =	vst v63  }
0x3e: {  	s12 =	simm.s32 @!p0 $0xA  }
0x3f: {  	_ =	swait.ge @!p0 [sflag:s12], $0x4000  }
0x40: {  	[sflag:s12] =	ssyncset.done @!p0 $0x0  }
0x41: {  	s28 =	sadd.s32 $0x18180, s6;
	[sflag:s12] =	ssyncadd.s32 @!p0 $0xFFFFC000  }
0x42: {  	[tilespmem:s20], [sflag:$0x4] =	stream.indirect.gather [hbm4b:s1+s14], $0x80, s28, s14, $0xb8;
	[tilespmem:$0x1A100] =	vst v63  }
0x43: {  	_ =	swait.ge [sflag:s21], $0x4000  }
0x44: {  	[sflag:s21] =	ssyncset.done $0x0  }
0x45: {  	s13 =	sadd.s32 s15, s11;
	s12 =	simm.s32 @!p0 $0xB;
	[sflag:s21] =	ssyncadd.s32 $0xFFFFC000  }
0x46: {  	[hbm4b:s13+s4] =	stream.linear.scatter [tilespmem:s18], [sflag:$0x9], $0x4000, $0x38;
	[tilespmem:$0x1A100] =	vst v63  }
0x47: {  	_ =	swait.ge @!p0 [sflag:s12], $0x4000  }
0x48: {  	[sflag:s12] =	ssyncset.done @!p0 $0x0  }
0x49: {  	s28 =	sadd.s32 $0x18200, s6;
	[sflag:s12] =	ssyncadd.s32 @!p0 $0xFFFFC000  }
0x4a: {  	[tilespmem:s22], [sflag:$0x5] =	stream.indirect.gather [hbm4b:s1+s14], $0x80, s28, s14, $0xb8;
	[tilespmem:$0x1A100] =	vst v63  }
0x4b: {  	_ =	swait.ge [sflag:s23], $0x4000  }
0x4c: {  	[sflag:s23] =	ssyncset.done $0x0  }
0x4d: {  	s13 =	sadd.s32 s15, s10;
	s12 =	simm.s32 @!p0 $0xC;
	[sflag:s23] =	ssyncadd.s32 $0xFFFFC000  }
0x4e: {  	[hbm4b:s13+s4] =	stream.linear.scatter [tilespmem:s20], [sflag:$0xA], $0x4000, $0x38;
	[tilespmem:$0x1A100] =	vst v63  }
0x4f: {  	_ =	swait.ge @!p0 [sflag:s12], $0x4000  }
0x50: {  	[sflag:s12] =	ssyncset.done @!p0 $0x0  }
0x51: {  	s28 =	sadd.s32 $0x18280, s6;
	[sflag:s12] =	ssyncadd.s32 @!p0 $0xFFFFC000  }
0x52: {  	[tilespmem:s24], [sflag:$0x6] =	stream.indirect.gather [hbm4b:s1+s14], $0x80, s28, s14, $0xb8;
	[tilespmem:$0x1A100] =	vst v63  }
0x53: {  	_ =	swait.ge [sflag:s25], $0x4000  }
0x54: {  	p0 =	seq.s32 s5, $0x7800;
	[sflag:s25] =	ssyncset.done $0x0  }
0x55: {  	s13 =	sadd.s32 s15, s9;
	s12 =	simm.s32 @!p0 $0x7;
	[sflag:s25] =	ssyncadd.s32 $0xFFFFC000  }
0x56: {  	[hbm4b:s13+s4] =	stream.linear.scatter [tilespmem:s22], [sflag:$0xB], $0x4000, $0x38;
	[tilespmem:$0x1A100] =	vst v63  }
0x57: {  	_ =	swait.ge @!p0 [sflag:s12], $0x4000  }
0x58: {  	[sflag:s12] =	ssyncset.done @!p0 $0x0  }
0x59: {  	[sflag:s12] =	ssyncadd.s32 @!p0 $0xFFFFC000;
	s12 =	sshra.s32 @!p0 s5, $0x2  }
0x5a: {  	s28 =	simm.s32 @!p0 $0x0;
	s13 =	simm.s32 @!p0 $0x80;
	s12 =	sadd.s32 @!p0 $0x18300, s12  }
0x5b: {  	[tilespmem:s28], [sflag:$0x1] =	stream.indirect.gather @!p0 [hbm4b:s1+s13], $0x80, s12, s13, $0xb8;
	[tilespmem:$0x1A100] =	vst v63  }
.Ltmp2:
0x5c: {  	_ = 	snop;
	(pc) =	sbr.rel @p0 .LBB2_4-.Ltmp2, $4  }
0x5d: {  	_ =	swait.ge [sflag:s26], $0x4000  }
0x5e: {  	[sflag:s26] =	ssyncset.done $0x0  }
0x5f: {  	s28 =	sadd.s32 s15, s8;
	[sflag:s26] =	ssyncadd.s32 $0xFFFFC000  }
0x60: {  	[hbm4b:s28+s4] =	stream.linear.scatter [tilespmem:s24], [sflag:$0xC], $0x4000, $0x38;
	[tilespmem:$0x1A100] =	vst v63  }
.Ltmp3:
0x61: {  	(pc) =	sbr.rel .LBB2_2-.Ltmp3, $4  }
0x62: {  	_ =	swait.ge [sflag:s29], $0x4000  }
0x63: {  	s6 =	sadd.s32 $0x18380, s6;
	[sflag:s29] =	ssyncset.done $0x0  }
0x64: {  	s5 =	sadd.s32 $0xC00, s5;
	s15 =	sadd.s32 $0x3000, s15;
	[sflag:s29] =	ssyncadd.s32 $0xFFFFC000  }
0x65: {  	[tilespmem:s16], [sflag:$0x2] =	stream.indirect.gather [hbm4b:s1+s14], $0x80, s6, s14, $0xb8;
	[tilespmem:$0x1A100] =	vst v63  }
.LBB2_5:
0x66: {  	_ =	sfence.sel $0x180000  }
0x67: {  	[bflag:$0x0] =	sbarrier.arrive $0xFFFF  }
0x68: {  	_ =	strace $0x90000047  }
0x69: {  	s0 =	stileid.u32;
	[bflag:$0x2] =	sbarrier.arrive $0xFFFF  }
0x6a: {  	p0 =	sne.s32 s0, $0x0;
	s0 =	rddreg [dreg:$0x3]  }
0x6b: {  	s0 =	sadd.s32 @!p0 $0x100000, s0  }
0x6c: {  	[sflag:s0] =	ssyncadd.tile.s32 @!p0 $0x1;
	_ =	shalt  }
.Lfunc_end2:
_tile_overlayer_lowered:
.L_overlay_start_2:
0x6d: {  	(tag) =	ssettag $0x2  }
0x6e: {  	s0 =	rddreg [dreg:$0x0];
	s2 =	stileid.u32  }
0x6f: {  	s1 =	rddreg [dreg:$0x1];
	p0 =	sne.s32 s2, $0x0  }
0x70: {  	s3 =	rddreg [dreg:$0x2];
	[bflag:$0x3] =	sbarrier.arrive $0xFFFF;
	s2 =	simm.s32 @!p0 $0x1C0D  }
0x71: {  	[timem:s3], [sflag:s2] =	dma.local @!p0 [hbm:s0], s1  }
0x72: {  	s0 =	simm.s32 @!p0 $0xD  }
0x73: {  	_ =	swait.ge @!p0 [sflag:s0], s1  }
0x74: {  	s1 =	ssub.s32 @!p0 $0x0, s1;
	[sflag:s0] =	ssyncset.done @!p0 $0x0  }
0x75: {  	[sflag:s0] =	ssyncadd.s32 @!p0 s1  }
0x76: {  	[bflag:$0x3] =	sbarrier.arrive $0xFFFF  }
0x77: {  	_ =	shalt  }

</sc_bundles>
